<compile_context>
chip_gen: v7x
topology: tpu7x:2x2x1
jax: 0.10.2.dev20260603
libtpu: 0.0.44.dev20260713+nightly
codegen_flags: <defaults>
</compile_context>

<pallas_src>
import jax
import jax.numpy as jnp
from jax.experimental import pallas as pl

_B, _T = 8, 12000
_D, _K = 64, 8192
_L = 1000
_N = _B * _L
_BM = 400
_GRID = _N // _BM
_U = 256

_HI = jax.lax.Precision.HIGHEST


def _vq_stats_block(z_ref, cb_ref, idx_ref, q_ref, avg_ref, cnt_ref, com_ref):
    i = pl.program_id(0)
    z = z_ref[...]
    cb = cb_ref[...]
    idx = idx_ref[0, 0, :]
    q = q_ref[...]
    zz = jnp.sum(z * z, axis=1, keepdims=True)
    cc = jnp.sum(cb * cb, axis=1)[None, :]
    zc = jax.lax.dot_general(z, cb, (((1,), (1,)), ((), ())),
                             preferred_element_type=jnp.float32)
    d2 = zz - 2.0 * zc + cc
    m = jnp.min(d2, axis=1, keepdims=True)
    e = jnp.exp((m - d2) * 0.01)
    s = jnp.sum(e, axis=1, keepdims=True)
    probs = e / s
    onehot = (jax.lax.broadcasted_iota(jnp.int32, (_BM, _K), 1)
              == idx[:, None]).astype(jnp.float32)

    @pl.when(i == 0)
    def _init():
        avg_ref[...] = jnp.zeros_like(avg_ref)
        cnt_ref[...] = jnp.zeros_like(cnt_ref)
        com_ref[...] = jnp.zeros_like(com_ref)

    avg_ref[...] += jnp.sum(probs, axis=0)[None, :]
    cnt_ref[...] += jnp.sum(onehot, axis=0)[None, :]
    com_ref[...] += jnp.sum((z - q) ** 2)[None, None]


def _loss_epilogue(cb_ref, uids_ref, avg_ref, com_ref,
                   loss_ref, commit_ref, div_ref, ortho_ref):
    cb = cb_ref[...]
    uids = uids_ref[0, :].astype(jnp.int32)
    onehot = (jax.lax.broadcasted_iota(jnp.int32, (_U, _K), 1)
              == uids[:, None]).astype(jnp.float32)
    codes = jax.lax.dot_general(onehot, cb, (((1,), (0,)), ((), ())),
                                preferred_element_type=jnp.float32,
                                precision=_HI)
    nrm = jnp.sqrt(jnp.sum(codes * codes, axis=1, keepdims=True)) + 1e-8
    normed = codes / nrm
    cs = jax.lax.dot_general(normed, normed, (((1,), (1,)), ((), ())),
                             preferred_element_type=jnp.float32,
                             precision=_HI)
    ortho = jnp.sum(cs * cs) / float(_U * _U) - 1.0 / _U
    avg = avg_ref[...] * (1.0 / _N)
    div = jnp.sum(avg * jnp.log(avg + 1e-10))
    commit = jnp.sum(com_ref[...]) * (1.0 / (_N * _D))
    loss_ref[...] = (commit + div + ortho)[None, None]
    commit_ref[...] = commit[None, None]
    div_ref[...] = div[None, None]
    ortho_ref[...] = ortho[None, None]


def _vq_losses(zf, codebook, idx, q):
    f32 = jnp.float32
    idx3 = idx.reshape(_GRID, 1, _BM)
    avg, cnt, com = pl.pallas_call(
        _vq_stats_block,
        grid=(_GRID,),
        in_specs=[
            pl.BlockSpec((_BM, _D), lambda i: (i, 0)),
            pl.BlockSpec((_K, _D), lambda i: (0, 0)),
            pl.BlockSpec((1, 1, _BM), lambda i: (i, 0, 0)),
            pl.BlockSpec((_BM, _D), lambda i: (i, 0)),
        ],
        out_specs=[
            pl.BlockSpec((1, _K), lambda i: (0, 0)),
            pl.BlockSpec((1, _K), lambda i: (0, 0)),
            pl.BlockSpec((1, 1), lambda i: (0, 0)),
        ],
        out_shape=[
            jax.ShapeDtypeStruct((1, _K), f32),
            jax.ShapeDtypeStruct((1, _K), f32),
            jax.ShapeDtypeStruct((1, 1), f32),
        ],
    )(zf, codebook, idx3, q)

    uids = jnp.nonzero(cnt[0] > 0.0, size=_U, fill_value=0)[0]
    uids_f = uids.astype(f32)[None, :]

    loss, commit, div, ortho = pl.pallas_call(
        _loss_epilogue,
        in_specs=[
            pl.BlockSpec((_K, _D), lambda: (0, 0)),
            pl.BlockSpec((1, _U), lambda: (0, 0)),
            pl.BlockSpec((1, _K), lambda: (0, 0)),
            pl.BlockSpec((1, 1), lambda: (0, 0)),
        ],
        out_specs=[pl.BlockSpec((1, 1), lambda: (0, 0))] * 4,
        out_shape=[jax.ShapeDtypeStruct((1, 1), f32)] * 4,
    )(codebook, uids_f, avg, com)

    return (loss.reshape(()), commit.reshape(()),
            div.reshape(()), ortho.reshape(()))


def _conv1d(x, w, b, stride, pad):
    y = jax.lax.conv_general_dilated(
        x, w, (stride,), [(pad, pad)],
        dimension_numbers=('NCH', 'OIH', 'NCH'))
    if b is not None:
        y = y + b[None, :, None]
    return y


def _conv_transpose1d(x, w, stride, pad):
    k = w.shape[2]
    wk = jnp.flip(w, axis=2).transpose(1, 0, 2)
    return jax.lax.conv_general_dilated(
        x, wk, (1,), [(k - 1 - pad, k - 1 - pad)], lhs_dilation=(stride,),
        dimension_numbers=('NCH', 'OIH', 'NCH'))


def _bnorm(x, g, b, eps=1e-5):
    m = jnp.mean(x, axis=(0, 2), keepdims=True)
    v = jnp.var(x, axis=(0, 2), keepdims=True)
    return g[None, :, None] * (x - m) / jnp.sqrt(v + eps) + b[None, :, None]


def _silu(x):
    return x * jax.nn.sigmoid(x)


def kernel(x, enc_w1, enc_b1, bn1_g, bn1_b, enc_w2, enc_b2, bn2_g, bn2_b,
           enc_w3, enc_b3, bn3_g, bn3_b, codebook, dec_wt, bn4_g, bn4_b,
           dec_w2, dec_b2, bn5_g, bn5_b, dec_w3, dec_b3):
    h = _conv1d(x, enc_w1, enc_b1, 1, 2)
    h = _silu(h)
    h = _bnorm(h, bn1_g, bn1_b)
    h = _conv1d(h, enc_w2, enc_b2, 1, 2)
    h = _silu(h)
    h = _bnorm(h, bn2_g, bn2_b)
    h = _conv1d(h, enc_w3, enc_b3, 12, 12)
    h = jnp.tanh(h)
    h = _bnorm(h, bn3_g, bn3_b)
    z = h.transpose(0, 2, 1)

    zf = z.reshape(-1, _D)
    d2 = (jnp.sum(zf ** 2, axis=1, keepdims=True)
          - 2.0 * zf @ codebook.T
          + jnp.sum(codebook ** 2, axis=1)[None, :])
    idx = jnp.argmin(d2, axis=1)
    q = codebook[idx]
    q_st = zf + jax.lax.stop_gradient(q - zf)

    loss, commit, div, ortho = _vq_losses(zf, codebook, idx, q)

    zq = q_st.reshape(_B, _L, _D).transpose(0, 2, 1)
    r = _conv_transpose1d(zq, dec_wt, 12, 12)
    r = _silu(r)
    r = _bnorm(r, bn4_g, bn4_b)
    r = _conv1d(r, dec_w2, dec_b2, 1, 2)
    r = _silu(r)
    r = _bnorm(r, bn5_g, bn5_b)
    r = _conv1d(r, dec_w3, dec_b3, 1, 0)
    tl = x.shape[2]
    cl = r.shape[2]
    if cl > tl:
        r = r[:, :, :tl]
    elif cl < tl:
        r = jnp.pad(r, ((0, 0), (0, 0), (0, tl - cl)))
    return (r, idx.reshape(_B, _L), loss, commit, div, ortho)

# --- scband reference (transcript-rebuilt; emitter-appended) ---
"""Pipeline reference for scband-nanopore-vqmodel-42339787604295 (READ-ONLY COPY).

The authoritative reference and input builder live on the scoring server;
editing this copy changes nothing except your own understanding.
"""

import jax, jax.numpy as jnp
import numpy as np

B, T = 8, 12000
D, K = 64, 8192
CW, DW, OW = 1.0, 1.0, 1.0

def conv1d(x, w, b, stride, pad):
    y = jax.lax.conv_general_dilated(x, w, (stride,), [(pad, pad)], dimension_numbers=('NCH', 'OIH', 'NCH'))
    if b is not None:
        y = y + b[None, :, None]
    return y

def conv_transpose1d(x, w, stride, pad):
    # w: [in, out, k] (PyTorch ConvTranspose1d layout)
    k = w.shape[2]
    wk = jnp.flip(w, axis=2).transpose(1, 0, 2)  # [out, in, k]
    return jax.lax.conv_general_dilated(x, wk, (1,), [(k - 1 - pad, k - 1 - pad)], lhs_dilation=(stride,), dimension_numbers=('NCH', 'OIH', 'NCH'))

def bnorm(x, g, b, eps=1e-5):
    m = jnp.mean(x, axis=(0, 2), keepdims=True)
    v = jnp.var(x, axis=(0, 2), keepdims=True)
    return g[None, :, None] * (x - m) / jnp.sqrt(v + eps) + b[None, :, None]

def silu(x):
    return x * jax.nn.sigmoid(x)

def vq(z, codebook):
    Bz, L, Dz = z.shape
    zf = z.reshape(-1, Dz)
    d2 = jnp.sum(zf ** 2, axis=1, keepdims=True) - 2.0 * zf @ codebook.T + jnp.sum(codebook ** 2, axis=1)[None, :]
    idx = jnp.argmin(d2, axis=1)
    q = codebook[idx]
    commit = jnp.mean((zf - jax.lax.stop_gradient(q)) ** 2)
    probs = jax.nn.softmax(-d2 / 100.0, axis=1)
    avg = jnp.mean(probs, axis=0)
    div = jnp.sum(avg * jnp.log(avg + 1e-10))
    uids = jnp.unique(idx, size=256, fill_value=0)
    codes = codebook[uids]
    normed = codes / (jnp.linalg.norm(codes, axis=1, keepdims=True) + 1e-8)
    cs = normed @ normed.T
    n = codes.shape[0]
    ortho = jnp.sum(cs ** 2) / (n * n) - 1.0 / n
    q_st = zf + jax.lax.stop_gradient(q - zf)
    loss = CW * commit + DW * div + OW * ortho
    return q_st.reshape(Bz, L, Dz), idx.reshape(Bz, L), loss, (commit, div, ortho)

def setup_inputs(seed: int = 0):
    key = jax.random.key(seed)
    ks = jax.random.split(key, 24)
    inp = {}
    inp['x'] = jax.random.normal(ks[0], (B, 1, T), jnp.float32)
    inp['enc_w1'] = jax.random.normal(ks[1], (16, 1, 5), jnp.float32) * 0.2
    inp['enc_b1'] = jnp.zeros((16,), jnp.float32)
    inp['bn1_g'] = jnp.ones((16,), jnp.float32)
    inp['bn1_b'] = jnp.zeros((16,), jnp.float32)
    inp['enc_w2'] = jax.random.normal(ks[2], (32, 16, 5), jnp.float32) * 0.1
    inp['enc_b2'] = jnp.zeros((32,), jnp.float32)
    inp['bn2_g'] = jnp.ones((32,), jnp.float32)
    inp['bn2_b'] = jnp.zeros((32,), jnp.float32)
    inp['enc_w3'] = jax.random.normal(ks[3], (D, 32, 25), jnp.float32) * 0.04
    inp['enc_b3'] = jnp.zeros((D,), jnp.float32)
    inp['bn3_g'] = jnp.ones((D,), jnp.float32)
    inp['bn3_b'] = jnp.zeros((D,), jnp.float32)
    inp['codebook'] = jax.random.normal(ks[4], (K, D), jnp.float32)
    inp['dec_wt'] = jax.random.normal(ks[5], (D, 64, 25), jnp.float32) * 0.04
    inp['bn4_g'] = jnp.ones((64,), jnp.float32)
    inp['bn4_b'] = jnp.zeros((64,), jnp.float32)
    inp['dec_w2'] = jax.random.normal(ks[6], (64, 64, 5), jnp.float32) * 0.08
    inp['dec_b2'] = jnp.zeros((64,), jnp.float32)
    inp['bn5_g'] = jnp.ones((64,), jnp.float32)
    inp['bn5_b'] = jnp.zeros((64,), jnp.float32)
    inp['dec_w3'] = jax.random.normal(ks[7], (1, 64, 1), jnp.float32) * 0.1
    inp['dec_b3'] = jnp.zeros((1,), jnp.float32)
    return inp

def reference(x, enc_w1, enc_b1, bn1_g, bn1_b, enc_w2, enc_b2, bn2_g, bn2_b, enc_w3, enc_b3, bn3_g, bn3_b, codebook, dec_wt, bn4_g, bn4_b, dec_w2, dec_b2, bn5_g, bn5_b, dec_w3, dec_b3):
    h = conv1d(x, enc_w1, enc_b1, 1, 2)
    h = silu(h)
    h = bnorm(h, bn1_g, bn1_b)
    h = conv1d(h, enc_w2, enc_b2, 1, 2)
    h = silu(h)
    h = bnorm(h, bn2_g, bn2_b)
    h = conv1d(h, enc_w3, enc_b3, 12, 12)
    h = jnp.tanh(h)
    h = bnorm(h, bn3_g, bn3_b)
    z = h.transpose(0, 2, 1)
    q_st, idx, loss, lb = vq(z, codebook)
    zq = q_st.transpose(0, 2, 1)
    r = conv_transpose1d(zq, dec_wt, 12, 12)
    r = silu(r)
    r = bnorm(r, bn4_g, bn4_b)
    r = conv1d(r, dec_w2, dec_b2, 1, 2)
    r = silu(r)
    r = bnorm(r, bn5_g, bn5_b)
    r = conv1d(r, dec_w3, dec_b3, 1, 0)
    tl = x.shape[2]
    cl = r.shape[2]
    if cl > tl:
        r = r[:, :, :tl]
    elif cl < tl:
        r = jnp.pad(r, ((0, 0), (0, 0), (0, tl - cl)))
    return (r, idx, loss, lb[0], lb[1], lb[2])

if __name__ == "__main__":
    import jax
    _d = setup_inputs()
    print(jax.jit(kernel)(*tuple(_d.values())))

</pallas_src>

<mosaic_0001>
module attributes {stable_mosaic.version = 14 : i64} {
  func.func @_vq_stats_block(%arg0: i32, %arg1: memref<400x64xf32, #tpu.memory_space<vmem>>, %arg2: memref<8192x64xf32, #tpu.memory_space<vmem>>, %arg3: memref<1x1x400xi32, #tpu.memory_space<vmem>>, %arg4: memref<400x64xf32, #tpu.memory_space<vmem>>, %arg5: memref<1x8192xf32, #tpu.memory_space<vmem>>, %arg6: memref<1x8192xf32, #tpu.memory_space<vmem>>, %arg7: memref<1x1xf32, #tpu.memory_space<vmem>>) attributes {dimension_semantics = [#tpu.dimension_semantics<arbitrary>], iteration_bounds = array<i64: 20>, scalar_prefetch = 0 : i64, scratch_operands = 0 : i64, tpu.core_type = #tpu.core_type<tc>, window_params = [{transform_indices = @transform_0, window_bounds = array<i64: 400, 64>}, {pipeline_mode = #tpu.pipeline_mode<synchronous>, transform_indices = @transform_1, window_bounds = array<i64: 8192, 64>}, {transform_indices = @transform_2, window_bounds = array<i64: 1, 1, 400>}, {transform_indices = @transform_3, window_bounds = array<i64: 400, 64>}, {pipeline_mode = #tpu.pipeline_mode<synchronous>, transform_indices = @transform_4, window_bounds = array<i64: 1, 8192>}, {pipeline_mode = #tpu.pipeline_mode<synchronous>, transform_indices = @transform_5, window_bounds = array<i64: 1, 8192>}, {pipeline_mode = #tpu.pipeline_mode<synchronous>, transform_indices = @transform_6, window_bounds = array<i64: 1, 1>}]} {
    %get3A = arith.constant 0 : index
    %get3A_0 = arith.constant 0 : index
    %get3A_1 = vector.load %arg1[%get3A, %get3A_0] : memref<400x64xf32, #tpu.memory_space<vmem>>, vector<400x64xf32>
    %get3A_2 = arith.constant 0 : index
    %get3A_3 = arith.constant 0 : index
    %get3A_4 = vector.load %arg2[%get3A_2, %get3A_3] : memref<8192x64xf32, #tpu.memory_space<vmem>>, vector<8192x64xf32>
    %get3A_5 = arith.constant 0 : index
    %get3A_6 = arith.constant 0 : index
    %get3A_7 = arith.constant 0 : index
    %get3A_8 = vector.load %arg3[%get3A_5, %get3A_6, %get3A_7] : memref<1x1x400xi32, #tpu.memory_space<vmem>>, vector<1x1x400xi32>
    %get3A_9 = vector.shape_cast %get3A_8 : vector<1x1x400xi32> to vector<400xi32>
    %get3A_10 = arith.constant 0 : index
    %get3A_11 = arith.constant 0 : index
    %get3A_12 = vector.load %arg4[%get3A_10, %get3A_11] : memref<400x64xf32, #tpu.memory_space<vmem>>, vector<400x64xf32>
    %mul3A = arith.mulf %get3A_1, %get3A_1 : vector<400x64xf32>
    %reduce_sum3A = arith.constant dense<0.000000e+00> : vector<400xf32>
    %reduce_sum3A_13 = vector.multi_reduction <add>, %mul3A, %reduce_sum3A [1] : vector<400x64xf32> to vector<400xf32>
    %broadcast_in_dim3A = vector.shape_cast %reduce_sum3A_13 : vector<400xf32> to vector<400x1xf32>
    %mul3A_14 = arith.mulf %get3A_4, %get3A_4 : vector<8192x64xf32>
    %reduce_sum3A_15 = arith.constant dense<0.000000e+00> : vector<8192xf32>
    %reduce_sum3A_16 = vector.multi_reduction <add>, %mul3A_14, %reduce_sum3A_15 [1] : vector<8192x64xf32> to vector<8192xf32>
    %broadcast_in_dim3A_17 = vector.shape_cast %reduce_sum3A_16 : vector<8192xf32> to vector<1x8192xf32>
    %dot_general3A = arith.constant dense<0.000000e+00> : vector<400x8192xf32>
    %dot_general3A_18 = tpu.matmul %get3A_1, %get3A_4, %dot_general3A {dimension_numbers = #tpu.dot_dimension_numbers<[1], [1], [0], [0], [0, 0, 1, 0], [], []>, transpose_lhs_hint = false} : vector<400x64xf32>, vector<8192x64xf32>, vector<400x8192xf32> -> vector<400x8192xf32>
    %mul3A_19 = arith.constant 2.000000e+00 : f32
    %mul3A_20 = vector.broadcast %mul3A_19 : f32 to vector<400x8192xf32>
    %mul3A_21 = arith.mulf %mul3A_20, %dot_general3A_18 : vector<400x8192xf32>
    %sub3A = vector.broadcast %broadcast_in_dim3A : vector<400x1xf32> to vector<400x8192xf32>
    %sub3A_22 = arith.subf %sub3A, %mul3A_21 : vector<400x8192xf32>
    %add3A = vector.broadcast %broadcast_in_dim3A_17 : vector<1x8192xf32> to vector<400x8192xf32>
    %add3A_23 = arith.addf %sub3A_22, %add3A : vector<400x8192xf32>
    %reduce_min3A = arith.constant dense<0x7F800000> : vector<400xf32>
    %reduce_min3A_24 = vector.multi_reduction <minimumf>, %add3A_23, %reduce_min3A [1] : vector<400x8192xf32> to vector<400xf32>
    %broadcast_in_dim3A_25 = vector.shape_cast %reduce_min3A_24 : vector<400xf32> to vector<400x1xf32>
    %sub3A_26 = vector.broadcast %broadcast_in_dim3A_25 : vector<400x1xf32> to vector<400x8192xf32>
    %sub3A_27 = arith.subf %sub3A_26, %add3A_23 : vector<400x8192xf32>
    %mul3A_28 = arith.constant 0.00999999977 : f32
    %mul3A_29 = vector.broadcast %mul3A_28 : f32 to vector<400x8192xf32>
    %mul3A_30 = arith.mulf %sub3A_27, %mul3A_29 : vector<400x8192xf32>
    %exp3A = math.exp %mul3A_30 : vector<400x8192xf32>
    %reduce_sum3A_31 = arith.constant dense<0.000000e+00> : vector<400xf32>
    %reduce_sum3A_32 = vector.multi_reduction <add>, %exp3A, %reduce_sum3A_31 [1] : vector<400x8192xf32> to vector<400xf32>
    %broadcast_in_dim3A_33 = vector.shape_cast %reduce_sum3A_32 : vector<400xf32> to vector<400x1xf32>
    %div3A = vector.broadcast %broadcast_in_dim3A_33 : vector<400x1xf32> to vector<400x8192xf32>
    %div3A_34 = arith.divf %exp3A, %div3A : vector<400x8192xf32>
    %iota3A = tpu.iota {dimensions = array<i32: 1>} : vector<400x8192xi32>
    %broadcast_in_dim3A_35 = vector.shape_cast %get3A_9 : vector<400xi32> to vector<400x1xi32>
    %eq3A = vector.broadcast %broadcast_in_dim3A_35 : vector<400x1xi32> to vector<400x8192xi32>
    %eq3A_36 = arith.cmpi eq, %iota3A, %eq3A : vector<400x8192xi32>
    %convert_element_type3A = arith.extui %eq3A_36 : vector<400x8192xi1> to vector<400x8192xi32>
    %convert_element_type3A_37 = arith.sitofp %convert_element_type3A : vector<400x8192xi32> to vector<400x8192xf32>
    %eq3A_38 = arith.constant 0 : i32
    %eq3A_39 = arith.cmpi eq, %arg0, %eq3A_38 : i32
    %convert_element_type3A_40 = arith.extui %eq3A_39 : i1 to i32
    %cond3A = arith.constant 0 : i32
    %cond3A_41 = arith.cmpi ne, %convert_element_type3A_40, %cond3A : i32
    scf.if %cond3A_41 {
      %broadcast_in_dim3A_75 = arith.constant 0.000000e+00 : f32
      %broadcast_in_dim3A_76 = vector.broadcast %broadcast_in_dim3A_75 : f32 to vector<1x8192xf32>
      %swap3A_77 = arith.constant 0 : index
      %swap3A_78 = arith.constant 0 : index
      %swap3A_79 = vector.load %arg5[%swap3A_77, %swap3A_78] : memref<1x8192xf32, #tpu.memory_space<vmem>>, vector<1x8192xf32>
      tpu.vector_store %arg5[%swap3A_77, %swap3A_78], %broadcast_in_dim3A_76 {strides = array<i32>} : memref<1x8192xf32, #tpu.memory_space<vmem>>, vector<1x8192xf32>,
      %broadcast_in_dim3A_80 = arith.constant 0.000000e+00 : f32
      %broadcast_in_dim3A_81 = vector.broadcast %broadcast_in_dim3A_80 : f32 to vector<1x8192xf32>
      %swap3A_82 = arith.constant 0 : index
      %swap3A_83 = arith.constant 0 : index
      %swap3A_84 = vector.load %arg6[%swap3A_82, %swap3A_83] : memref<1x8192xf32, #tpu.memory_space<vmem>>, vector<1x8192xf32>
      tpu.vector_store %arg6[%swap3A_82, %swap3A_83], %broadcast_in_dim3A_81 {strides = array<i32>} : memref<1x8192xf32, #tpu.memory_space<vmem>>, vector<1x8192xf32>,
      %broadcast_in_dim3A_85 = arith.constant 0.000000e+00 : f32
      %broadcast_in_dim3A_86 = vector.broadcast %broadcast_in_dim3A_85 : f32 to vector<1x1xf32>
      %swap3A_87 = arith.constant 0 : index
      %swap3A_88 = arith.constant 0 : index
      %swap3A_89 = vector.load %arg7[%swap3A_87, %swap3A_88] : memref<1x1xf32, #tpu.memory_space<vmem>>, vector<1x1xf32>
      tpu.vector_store %arg7[%swap3A_87, %swap3A_88], %broadcast_in_dim3A_86 {strides = array<i32>} : memref<1x1xf32, #tpu.memory_space<vmem>>, vector<1x1xf32>,
    } else {
    }
    %get3A_42 = arith.constant 0 : index
    %get3A_43 = arith.constant 0 : index
    %get3A_44 = vector.load %arg5[%get3A_42, %get3A_43] : memref<1x8192xf32, #tpu.memory_space<vmem>>, vector<1x8192xf32>
    %reduce_sum3A_45 = arith.constant dense<0.000000e+00> : vector<8192xf32>
    %reduce_sum3A_46 = vector.multi_reduction <add>, %div3A_34, %reduce_sum3A_45 [0] : vector<400x8192xf32> to vector<8192xf32>
    %broadcast_in_dim3A_47 = vector.shape_cast %reduce_sum3A_46 : vector<8192xf32> to vector<1x8192xf32>
    %add3A_48 = arith.addf %get3A_44, %broadcast_in_dim3A_47 : vector<1x8192xf32>
    %swap3A = arith.constant 0 : index
    %swap3A_49 = arith.constant 0 : index
    %swap3A_50 = vector.load %arg5[%swap3A, %swap3A_49] : memref<1x8192xf32, #tpu.memory_space<vmem>>, vector<1x8192xf32>
    tpu.vector_store %arg5[%swap3A, %swap3A_49], %add3A_48 {strides = array<i32>} : memref<1x8192xf32, #tpu.memory_space<vmem>>, vector<1x8192xf32>,
    %get3A_51 = arith.constant 0 : index
    %get3A_52 = arith.constant 0 : index
    %get3A_53 = vector.load %arg6[%get3A_51, %get3A_52] : memref<1x8192xf32, #tpu.memory_space<vmem>>, vector<1x8192xf32>
    %reduce_sum3A_54 = arith.constant dense<0.000000e+00> : vector<8192xf32>
    %reduce_sum3A_55 = vector.multi_reduction <add>, %convert_element_type3A_37, %reduce_sum3A_54 [0] : vector<400x8192xf32> to vector<8192xf32>
    %broadcast_in_dim3A_56 = vector.shape_cast %reduce_sum3A_55 : vector<8192xf32> to vector<1x8192xf32>
    %add3A_57 = arith.addf %get3A_53, %broadcast_in_dim3A_56 : vector<1x8192xf32>
    %swap3A_58 = arith.constant 0 : index
    %swap3A_59 = arith.constant 0 : index
    %swap3A_60 = vector.load %arg6[%swap3A_58, %swap3A_59] : memref<1x8192xf32, #tpu.memory_space<vmem>>, vector<1x8192xf32>
    tpu.vector_store %arg6[%swap3A_58, %swap3A_59], %add3A_57 {strides = array<i32>} : memref<1x8192xf32, #tpu.memory_space<vmem>>, vector<1x8192xf32>,
    %get3A_61 = arith.constant 0 : index
    %get3A_62 = arith.constant 0 : index
    %get3A_63 = vector.load %arg7[%get3A_61, %get3A_62] : memref<1x1xf32, #tpu.memory_space<vmem>>, vector<1x1xf32>
    %sub3A_64 = arith.subf %get3A_1, %get3A_12 : vector<400x64xf32>
    %integer_pow3A = arith.mulf %sub3A_64, %sub3A_64 : vector<400x64xf32>
    %reduce_sum3A_65 = vector.shape_cast %integer_pow3A : vector<400x64xf32> to vector<1x400x64xf32>
    %reduce_sum3A_66 = arith.constant dense<0.000000e+00> : vector<1xf32>
    %reduce_sum3A_67 = vector.multi_reduction <add>, %reduce_sum3A_65, %reduce_sum3A_66 [1, 2] : vector<1x400x64xf32> to vector<1xf32>
    %reduce_sum3A_68 = vector.shape_cast %reduce_sum3A_67 : vector<1xf32> to vector<1x1x1xf32>
    %reduce_sum3A_69 = vector.extract %reduce_sum3A_68[0, 0, 0] : f32 from vector<1x1x1xf32>
    %broadcast_in_dim3A_70 = vector.broadcast %reduce_sum3A_69 : f32 to vector<1x1xf32>
    %add3A_71 = arith.addf %get3A_63, %broadcast_in_dim3A_70 : vector<1x1xf32>
    %swap3A_72 = arith.constant 0 : index
    %swap3A_73 = arith.constant 0 : index
    %swap3A_74 = vector.load %arg7[%swap3A_72, %swap3A_73] : memref<1x1xf32, #tpu.memory_space<vmem>>, vector<1x1xf32>
    tpu.vector_store %arg7[%swap3A_72, %swap3A_73], %add3A_71 {strides = array<i32>} : memref<1x1xf32, #tpu.memory_space<vmem>>, vector<1x1xf32>,
    return
  }
  func.func @transform_0(%arg0: i32) -> (i32, i32) {
    %c0_i32 = arith.constant 0 : i32
    %c0_i32_0 = arith.constant 0 : i32
    return %arg0, %c0_i32 : i32, i32
  }
  func.func @transform_1(%arg0: i32) -> (i32, i32) {
    %c0_i32 = arith.constant 0 : i32
    %c0_i32_0 = arith.constant 0 : i32
    %c0_i32_1 = arith.constant 0 : i32
    return %c0_i32, %c0_i32_0 : i32, i32
  }
  func.func @transform_2(%arg0: i32) -> (i32, i32, i32) {
    %c0_i32 = arith.constant 0 : i32
    %c0_i32_0 = arith.constant 0 : i32
    %c0_i32_1 = arith.constant 0 : i32
    return %arg0, %c0_i32, %c0_i32_0 : i32, i32, i32
  }
  func.func @transform_3(%arg0: i32) -> (i32, i32) {
    %c0_i32 = arith.constant 0 : i32
    %c0_i32_0 = arith.constant 0 : i32
    return %arg0, %c0_i32 : i32, i32
  }
  func.func @transform_4(%arg0: i32) -> (i32, i32) {
    %c0_i32 = arith.constant 0 : i32
    %c0_i32_0 = arith.constant 0 : i32
    %c0_i32_1 = arith.constant 0 : i32
    return %c0_i32, %c0_i32_0 : i32, i32
  }
  func.func @transform_5(%arg0: i32) -> (i32, i32) {
    %c0_i32 = arith.constant 0 : i32
    %c0_i32_0 = arith.constant 0 : i32
    %c0_i32_1 = arith.constant 0 : i32
    return %c0_i32, %c0_i32_0 : i32, i32
  }
  func.func @transform_6(%arg0: i32) -> (i32, i32) {
    %c0_i32 = arith.constant 0 : i32
    %c0_i32_0 = arith.constant 0 : i32
    %c0_i32_1 = arith.constant 0 : i32
    return %c0_i32, %c0_i32_0 : i32, i32
  }
}

module attributes {stable_mosaic.version = 14 : i64} {
  func.func @_loss_epilogue(%arg0: memref<8192x64xf32, #tpu.memory_space<vmem>>, %arg1: memref<1x256xf32, #tpu.memory_space<vmem>>, %arg2: memref<1x8192xf32, #tpu.memory_space<vmem>>, %arg3: memref<1x1xf32, #tpu.memory_space<vmem>>, %arg4: memref<1x1xf32, #tpu.memory_space<vmem>>, %arg5: memref<1x1xf32, #tpu.memory_space<vmem>>, %arg6: memref<1x1xf32, #tpu.memory_space<vmem>>, %arg7: memref<1x1xf32, #tpu.memory_space<vmem>>) attributes {dimension_semantics = [], scalar_prefetch = 0 : i64, scratch_operands = 0 : i64, tpu.core_type = #tpu.core_type<tc>} {
    %get3A = arith.constant 0 : index
    %get3A_0 = arith.constant 0 : index
    %get3A_1 = vector.load %arg0[%get3A, %get3A_0] : memref<8192x64xf32, #tpu.memory_space<vmem>>, vector<8192x64xf32>
    %get3A_2 = arith.constant 0 : index
    %get3A_3 = arith.constant 0 : index
    %get3A_4 = vector.load %arg1[%get3A_2, %get3A_3] : memref<1x256xf32, #tpu.memory_space<vmem>>, vector<1x256xf32>
    %get3A_5 = vector.shape_cast %get3A_4 : vector<1x256xf32> to vector<256xf32>
    %convert_element_type3A = arith.fptosi %get3A_5 : vector<256xf32> to vector<256xi32>
    %iota3A = tpu.iota {dimensions = array<i32: 1>} : vector<256x8192xi32>
    %broadcast_in_dim3A = vector.shape_cast %convert_element_type3A : vector<256xi32> to vector<256x1xi32>
    %eq3A = vector.broadcast %broadcast_in_dim3A : vector<256x1xi32> to vector<256x8192xi32>
    %eq3A_6 = arith.cmpi eq, %iota3A, %eq3A : vector<256x8192xi32>
    %convert_element_type3A_7 = arith.extui %eq3A_6 : vector<256x8192xi1> to vector<256x8192xi32>
    %convert_element_type3A_8 = arith.sitofp %convert_element_type3A_7 : vector<256x8192xi32> to vector<256x8192xf32>
    %dot_general3A = arith.constant dense<0.000000e+00> : vector<256x64xf32>
    %dot_general3A_9 = tpu.matmul %convert_element_type3A_8, %get3A_1, %dot_general3A {dimension_numbers = #tpu.dot_dimension_numbers<[1], [0], [0], [1], [0, 0, 1, 1], [], []>, precision = #tpu.contract_precision<fp32>, transpose_lhs_hint = false} : vector<256x8192xf32>, vector<8192x64xf32>, vector<256x64xf32> -> vector<256x64xf32>
    %mul3A = arith.mulf %dot_general3A_9, %dot_general3A_9 : vector<256x64xf32>
    %reduce_sum3A = arith.constant dense<0.000000e+00> : vector<256xf32>
    %reduce_sum3A_10 = vector.multi_reduction <add>, %mul3A, %reduce_sum3A [1] : vector<256x64xf32> to vector<256xf32>
    %broadcast_in_dim3A_11 = vector.shape_cast %reduce_sum3A_10 : vector<256xf32> to vector<256x1xf32>
    %sqrt3A = math.sqrt %broadcast_in_dim3A_11 : vector<256x1xf32>
    %add3A = arith.constant 9.99999993E-9 : f32
    %add3A_12 = vector.broadcast %add3A : f32 to vector<256x1xf32>
    %add3A_13 = arith.addf %sqrt3A, %add3A_12 : vector<256x1xf32>
    %div3A = vector.broadcast %add3A_13 : vector<256x1xf32> to vector<256x64xf32>
    %div3A_14 = arith.divf %dot_general3A_9, %div3A : vector<256x64xf32>
    %dot_general3A_15 = arith.constant dense<0.000000e+00> : vector<256x256xf32>
    %dot_general3A_16 = tpu.matmul %div3A_14, %div3A_14, %dot_general3A_15 {dimension_numbers = #tpu.dot_dimension_numbers<[1], [1], [0], [0], [0, 0, 1, 0], [], []>, precision = #tpu.contract_precision<fp32>, transpose_lhs_hint = false} : vector<256x64xf32>, vector<256x64xf32>, vector<256x256xf32> -> vector<256x256xf32>
    %mul3A_17 = arith.mulf %dot_general3A_16, %dot_general3A_16 : vector<256x256xf32>
    %reduce_sum3A_18 = vector.shape_cast %mul3A_17 : vector<256x256xf32> to vector<1x256x256xf32>
    %reduce_sum3A_19 = arith.constant dense<0.000000e+00> : vector<1xf32>
    %reduce_sum3A_20 = vector.multi_reduction <add>, %reduce_sum3A_18, %reduce_sum3A_19 [1, 2] : vector<1x256x256xf32> to vector<1xf32>
    %reduce_sum3A_21 = vector.shape_cast %reduce_sum3A_20 : vector<1xf32> to vector<1x1x1xf32>
    %reduce_sum3A_22 = vector.extract %reduce_sum3A_21[0, 0, 0] : f32 from vector<1x1x1xf32>
    %div3A_23 = arith.constant 6.553600e+04 : f32
    %div3A_24 = arith.divf %reduce_sum3A_22, %div3A_23 : f32
    %sub3A = arith.constant 3.906250e-03 : f32
    %sub3A_25 = arith.subf %div3A_24, %sub3A : f32
    %get3A_26 = arith.constant 0 : index
    %get3A_27 = arith.constant 0 : index
    %get3A_28 = vector.load %arg2[%get3A_26, %get3A_27] : memref<1x8192xf32, #tpu.memory_space<vmem>>, vector<1x8192xf32>
    %mul3A_29 = arith.constant 1.250000e-04 : f32
    %mul3A_30 = vector.broadcast %mul3A_29 : f32 to vector<1x8192xf32>
    %mul3A_31 = arith.mulf %get3A_28, %mul3A_30 : vector<1x8192xf32>
    %add3A_32 = arith.constant 1.000000e-10 : f32
    %add3A_33 = vector.broadcast %add3A_32 : f32 to vector<1x8192xf32>
    %add3A_34 = arith.addf %mul3A_31, %add3A_33 : vector<1x8192xf32>
    %log3A = math.log %add3A_34 : vector<1x8192xf32>
    %mul3A_35 = arith.mulf %mul3A_31, %log3A : vector<1x8192xf32>
    %reduce_sum3A_36 = vector.shape_cast %mul3A_35 : vector<1x8192xf32> to vector<1x1x8192xf32>
    %reduce_sum3A_37 = arith.constant dense<0.000000e+00> : vector<1xf32>
    %reduce_sum3A_38 = vector.multi_reduction <add>, %reduce_sum3A_36, %reduce_sum3A_37 [1, 2] : vector<1x1x8192xf32> to vector<1xf32>
    %reduce_sum3A_39 = vector.shape_cast %reduce_sum3A_38 : vector<1xf32> to vector<1x1x1xf32>
    %reduce_sum3A_40 = vector.extract %reduce_sum3A_39[0, 0, 0] : f32 from vector<1x1x1xf32>
    %get3A_41 = arith.constant 0 : index
    %get3A_42 = arith.constant 0 : index
    %get3A_43 = vector.load %arg3[%get3A_41, %get3A_42] : memref<1x1xf32, #tpu.memory_space<vmem>>, vector<1x1xf32>
    %reduce_sum3A_44 = vector.shape_cast %get3A_43 : vector<1x1xf32> to vector<1x1x1xf32>
    %reduce_sum3A_45 = arith.constant dense<0.000000e+00> : vector<1xf32>
    %reduce_sum3A_46 = vector.multi_reduction <add>, %reduce_sum3A_44, %reduce_sum3A_45 [1, 2] : vector<1x1x1xf32> to vector<1xf32>
    %reduce_sum3A_47 = vector.shape_cast %reduce_sum3A_46 : vector<1xf32> to vector<1x1x1xf32>
    %reduce_sum3A_48 = vector.extract %reduce_sum3A_47[0, 0, 0] : f32 from vector<1x1x1xf32>
    %mul3A_49 = arith.constant 1.95312509E-6 : f32
    %mul3A_50 = arith.mulf %reduce_sum3A_48, %mul3A_49 : f32
    %add3A_51 = arith.addf %mul3A_50, %reduce_sum3A_40 : f32
    %add3A_52 = arith.addf %add3A_51, %sub3A_25 : f32
    %broadcast_in_dim3A_53 = vector.broadcast %add3A_52 : f32 to vector<1x1xf32>
    %swap3A = arith.constant 0 : index
    %swap3A_54 = arith.constant 0 : index
    %swap3A_55 = vector.load %arg4[%swap3A, %swap3A_54] : memref<1x1xf32, #tpu.memory_space<vmem>>, vector<1x1xf32>
    tpu.vector_store %arg4[%swap3A, %swap3A_54], %broadcast_in_dim3A_53 {strides = array<i32>} : memref<1x1xf32, #tpu.memory_space<vmem>>, vector<1x1xf32>,
    %broadcast_in_dim3A_56 = vector.broadcast %mul3A_50 : f32 to vector<1x1xf32>
    %swap3A_57 = arith.constant 0 : index
    %swap3A_58 = arith.constant 0 : index
    %swap3A_59 = vector.load %arg5[%swap3A_57, %swap3A_58] : memref<1x1xf32, #tpu.memory_space<vmem>>, vector<1x1xf32>
    tpu.vector_store %arg5[%swap3A_57, %swap3A_58], %broadcast_in_dim3A_56 {strides = array<i32>} : memref<1x1xf32, #tpu.memory_space<vmem>>, vector<1x1xf32>,
    %broadcast_in_dim3A_60 = vector.broadcast %reduce_sum3A_40 : f32 to vector<1x1xf32>
    %swap3A_61 = arith.constant 0 : index
    %swap3A_62 = arith.constant 0 : index
    %swap3A_63 = vector.load %arg6[%swap3A_61, %swap3A_62] : memref<1x1xf32, #tpu.memory_space<vmem>>, vector<1x1xf32>
    tpu.vector_store %arg6[%swap3A_61, %swap3A_62], %broadcast_in_dim3A_60 {strides = array<i32>} : memref<1x1xf32, #tpu.memory_space<vmem>>, vector<1x1xf32>,
    %broadcast_in_dim3A_64 = vector.broadcast %sub3A_25 : f32 to vector<1x1xf32>
    %swap3A_65 = arith.constant 0 : index
    %swap3A_66 = arith.constant 0 : index
    %swap3A_67 = vector.load %arg7[%swap3A_65, %swap3A_66] : memref<1x1xf32, #tpu.memory_space<vmem>>, vector<1x1xf32>
    tpu.vector_store %arg7[%swap3A_65, %swap3A_66], %broadcast_in_dim3A_64 {strides = array<i32>} : memref<1x1xf32, #tpu.memory_space<vmem>>, vector<1x1xf32>,
    return
  }
}

</mosaic_0001>

<sc_bundles>
// kernel: gather_offload_async_start
scs
__scs_entry_jumppad:
0x0: {  	(pc) =	sbr.rel $0x88, $3  }
0x1: {  	(tag) =	ssettag $0x0;
	lr =	simm.s32 $0x1  }
0x2: {  	[smem:$0x3F8A] =	sst lr;
	_ =	strace $0xD0000000  }
0x3: {  	_ = 	snop  }
0x4: {  	_ = 	snop  }
0x5: {  	_ = 	snop  }
0x6: {  	_ = 	snop  }
0x7: {  	_ = 	snop  }
__scs_overlays_trampoline_lowered:
0x8: {  	[smem:$0x3F99] =	sst s0  }
0x9: {  	[smem:$0x3F9A] =	sst s1  }
0xa: {  	[smem:$0x3F9B] =	sst s2  }
0xb: {  	[smem:$0x3F9C] =	sst s3  }
0xc: {  	[smem:$0x3F9D] =	sst s4  }
0xd: {  	[smem:$0x3F9E] =	sst s5  }
0xe: {  	[smem:$0x3F9F] =	sst s6  }
0xf: {  	[smem:$0x3FA0] =	sst s7  }
0x10: {  	[smem:$0x3FA1] =	sst s8  }
0x11: {  	[smem:$0x3FA2] =	sst s9;
	s0 =	simm.s32 @!p0 $0x0  }
0x12: {  	s1 =	sld [smem:$0x3F88];
	s0 =	simm.s32 @p0 $0x1  }
0x13: {  	[smem:$0x3FA3] =	sst s0;
	s0 =	simm.s32 @!p1 $0x0  }
0x14: {  	s2 =	sld [smem:$0x3F87];
	s0 =	simm.s32 @p1 $0x1  }
0x15: {  	[smem:$0x3FA4] =	sst s0;
	s0 =	simm.s32 @!p2 $0x0  }
0x16: {  	s3 =	sld [smem:$0x3FDB];
	s0 =	simm.s32 @p2 $0x1  }
0x17: {  	s4 =	simm.s32 $0x1BF5;
	[smem:$0x3FA6] =	sst s0  }
0x18: {  	s0 =	sld [smem:$0x3F89];
	_ =	swait.ge [sflag:s4], $0x0  }
0x19: {  	s7 =	sld [smem:$0x3F8A]  }
0x1a: {  	s8 =	sadd.s32 $0xFFFFE003, lr  }
0x1b: {  	s9 =	sadd.s32 $0xFFFFFEF7, lr;
	s5 =	simm.s32 $0xFFFFFFFF;
	p2 =	slt.u32 s8, $0xFFFFF086  }
0x1c: {  	p1 =	slt.u32 s9, $0xF7A;
	s5 =	simm.s32 @!p2 $0x0  }
0x1d: {  	s5 =	simm.s32 @p1 $0x1;
	p0 =	seq.s32 s7, s2  }
0x1e: {  	s7 =	smul.u32 @!p0 $0xF7A, s2;
	p2 =	seq.s32 @!p0 s5, $0x0  }
0x1f: {  	s9 =	smul.u32 $0xF7A, s1;
	s8 =	simm.s32 @!p0 $0x1BF5;
	p2 =	por !p2, p0  }
0x20: {  	[sflag:s8] =	ssyncset.s32 @!p0 $0xFFFFF086;
	s6 =	sadd.s32 @!p0 s3, s7;
	s7 =	simm.s32 @!p0 $0x108  }
0x21: {  	s3 =	sadd.s32 s3, s9;
	s6 =	sadd.s32 @!p0 $0x88, s6;
	s7 =	simm.s32 @p2 $0x1082  }
0x22: {  	[simem:s7], [sflag:s8] =	dma.local @!p0 [hbm:s6], $0xF7A  }
0x23: {  	s9 =	sor.u32 $0xD0000000, s2;
	s6 =	simm.s32 $0x108;
	_ =	swait.ge @!p0 [sflag:s8], $0x0  }
0x24: {  	s3 =	sadd.s32 $0x88, s3;
	s6 =	simm.s32 @!p1 $0x1082;
	[sflag:s4] =	ssyncset.s32 $0xFFFFF086  }
0x25: {  	[simem:s6], [sflag:s4] =	dma.local [hbm:s3], $0xF7A  }
0x26: {  	[smem:$0x3F8A] =	sst s1;
	(tag) =	ssettag s2;
	_ =	strace s9  }
0x27: {  	s1 =	sld [smem:$0x3F9A]  }
0x28: {  	s2 =	sld [smem:$0x3F9B]  }
0x29: {  	s4 =	sld [smem:$0x3F9D]  }
0x2a: {  	p0 =	seq.s32 s5, $0x0;
	s5 =	sld [smem:$0x3F9E]  }
0x2b: {  	s6 =	sld [smem:$0x3F9F]  }
0x2c: {  	s7 =	sld [smem:$0x3FA0]  }
0x2d: {  	s3 =	simm.s32 $0x108;
	s8 =	sld [smem:$0x3FA1]  }
0x2e: {  	s3 =	simm.s32 @!p0 $0x1082;
	s9 =	sld [smem:$0x3FA2]  }
0x2f: {  	lr =	sadd.s32 s0, s3;
	s0 =	sld [smem:$0x3F99]  }
0x30: {  	s3 =	sld [smem:$0x3F9C]  }
0x31: {  	[smem:$0x3FA5] =	sst s10  }
0x32: {  	s10 =	sld [smem:$0x3FA3];
	_ =	sdelay $0x3  }
0x33: {  	p0 =	seq.s32 s10, $0x1;
	s10 =	sld [smem:$0x3FA5];
	_ =	sdelay $0x3  }
0x34: {  	[smem:$0x3FA5] =	sst s10  }
0x35: {  	s10 =	sld [smem:$0x3FA4];
	_ =	sdelay $0x3  }
0x36: {  	p1 =	seq.s32 s10, $0x1;
	s10 =	sld [smem:$0x3FA5];
	_ =	sdelay $0x3  }
0x37: {  	[smem:$0x3FA5] =	sst s10  }
0x38: {  	s10 =	sld [smem:$0x3FA6]  }
0x39: {  	_ = 	snop;
	(pc) =	sbr.ind lr, $3  }
0x3a: {  	_ = 	snop  }
0x3b: {  	_ = 	snop  }
0x3c: {  	p2 =	seq.s32 s10, $0x1;
	s10 =	sld [smem:$0x3FA5]  }
0x3d: {  	_ =	shalt  }
0x3e: {  	_ =	shalt  }
0x3f: {  	_ =	shalt  }
0x40: {  	_ =	shalt  }
0x41: {  	_ =	shalt  }
0x42: {  	_ =	shalt  }
0x43: {  	_ =	shalt  }
0x44: {  	_ =	shalt  }
0x45: {  	_ =	shalt  }
0x46: {  	_ =	shalt  }
0x47: {  	_ =	shalt  }
0x48: {  	_ =	shalt  }
0x49: {  	_ =	shalt  }
0x4a: {  	_ =	shalt  }
0x4b: {  	_ =	shalt  }
0x4c: {  	_ =	shalt  }
0x4d: {  	_ =	shalt  }
0x4e: {  	_ =	shalt  }
0x4f: {  	_ =	shalt  }
0x50: {  	_ =	shalt  }
0x51: {  	_ =	shalt  }
0x52: {  	_ =	shalt  }
0x53: {  	_ =	shalt  }
0x54: {  	_ =	shalt  }
0x55: {  	_ =	shalt  }
0x56: {  	_ =	shalt  }
0x57: {  	_ =	shalt  }
0x58: {  	_ =	shalt  }
0x59: {  	_ =	shalt  }
0x5a: {  	_ =	shalt  }
0x5b: {  	_ =	shalt  }
0x5c: {  	_ =	shalt  }
0x5d: {  	_ =	shalt  }
0x5e: {  	_ =	shalt  }
0x5f: {  	_ =	shalt  }
0x60: {  	_ =	shalt  }
0x61: {  	_ =	shalt  }
0x62: {  	_ =	shalt  }
0x63: {  	_ =	shalt  }
0x64: {  	_ =	shalt  }
0x65: {  	_ =	shalt  }
0x66: {  	_ =	shalt  }
0x67: {  	_ =	shalt  }
0x68: {  	_ =	shalt  }
0x69: {  	_ =	shalt  }
0x6a: {  	_ =	shalt  }
0x6b: {  	_ =	shalt  }
0x6c: {  	_ =	shalt  }
0x6d: {  	_ =	shalt  }
0x6e: {  	_ =	shalt  }
0x6f: {  	_ =	shalt  }
0x70: {  	_ =	shalt  }
0x71: {  	_ =	shalt  }
0x72: {  	_ =	shalt  }
0x73: {  	_ =	shalt  }
0x74: {  	_ =	shalt  }
0x75: {  	_ =	shalt  }
0x76: {  	_ =	shalt  }
0x77: {  	_ =	shalt  }
0x78: {  	_ =	shalt  }
0x79: {  	_ =	shalt  }
0x7a: {  	_ =	shalt  }
0x7b: {  	_ =	shalt  }
0x7c: {  	_ =	shalt  }
0x7d: {  	_ =	shalt  }
0x7e: {  	_ =	shalt  }
0x7f: {  	_ =	shalt  }
0x80: {  	_ =	shalt  }
0x81: {  	_ =	shalt  }
0x82: {  	_ =	shalt  }
0x83: {  	_ =	shalt  }
0x84: {  	_ =	shalt  }
0x85: {  	_ =	shalt  }
0x86: {  	_ =	shalt  }
0x87: {  	_ =	shalt  }
.Lfunc_end0:
.L_simem_size_0:
called_computation.1_lowered:
.L_overlay_start_0:
0x88: {  	s2 =	sld [smem:$0x3FD9]  }
0x89: {  	s3 =	sld [smem:$0x3FFE];
	_ =	sdelay $0x1  }
0x8a: {  	s1 =	srdreg.scid  }
0x8b: {  	s0 =	sand.u32 $0x1, s1  }
0x8c: {  	s14 =	sshll.u32 s0, $0xA;
	s2 =	sadd.s32 s3, s2  }
0x8d: {  	s2 =	sadd.s32 s2, s14  }
0x8e: {  	[smem:$0x3FB1] =	sst s2  }
0x8f: {  	_ = 	snop  }
0x90: {  	s2 =	sld [smem:$0x3FD0];
	_ =	sdelay $0x2  }
0x91: {  	s15 =	simm.s32 $0xA;
	s4 =	simm.s32 $0x10  }
0x92: {  	[smem:s4], [sflag:s15] =	dma.local [hbm:s2], $0x1  }
0x93: {  	_ =	swait.eq [sflag:s15], $0x1  }
0x94: {  	[sflag:s15] =	ssyncset.done $0x0  }
0x95: {  	[sflag:s15] =	ssyncadd.s32 $0xFFFFFFFF  }
0x96: {  	s16 =	sld [smem:$0x10];
	(tm) =	ssettm $0x1  }
0x97: {  	s17 =	sld [smem:$0x3FFB];
	_ =	sdelay $0x3  }
0x98: {  	_ =	strace s17  }
0x99: {  	s3 =	sld [smem:$0x3FFC];
	_ =	sdelay $0x3  }
0x9a: {  	_ =	strace s3  }
0x9b: {  	s3 =	sld [smem:$0x3FFD];
	_ =	sdelay $0x3  }
0x9c: {  	_ =	strace s3  }
0x9d: {  	_ =	strace $0x8FFFFFFF  }
0x9e: {  	s18 =	sld [smem:$0x3FDB];
	_ =	sdelay $0x1  }
0x9f: {  	s19 =	simm.s32 $_scs_section_size  }
0xa0: {  	s5 =	simm.s32 $_size__tile_overlayer_lowered;
	s6 =	simm.s32 $_tile_overlayer_lowered  }
0xa1: {  	s22 =	simm.s32 $0x1BFF;
	s21 =	sshll.u32 s6, $0x1;
	s3 =	sadd.s32 s19, s18  }
0xa2: {  	s7 =	simm.s32 $0x0;
	s20 =	sshll.u32 s5, $0x1;
	s5 =	sadd.s32 s21, s3  }
0xa3: {  	[timem:s7], [sflag:s22] =	dma.local [hbm:s5], s20  }
0xa4: {  	_ =	swait.ge [sflag:s22], s20  }
0xa5: {  	s4 =	ssub.s32 $0x0, s20;
	[sflag:s22] =	ssyncset.done $0x0  }
0xa6: {  	[sflag:s22] =	ssyncadd.s32 s4;
	_ =	sdelay $0x1  }
0xa7: {  	s23 =	simm.s32 $0x1B8B  }
0xa8: {  	_ =	swait.ge [sflag:s23], $0x1  }
0xa9: {  	[sflag:s23] =	ssyncset.done $0x0  }
0xaa: {  	s25 =	simm.s32 $0x1B8E;
	s24 =	sld [smem:$0x3FFE];
	[sflag:s23] =	ssyncadd.s32 $0xFFFFFFFF  }
0xab: {  	s26 =	simm.s32 $execute0_lowered;
	[smem:$0x3FD2] =	sst s25  }
0xac: {  	s5 =	sshll.u32 s26, $0x1;
	_ =	strace $0x80000046;
	[dreg:$0x1] =	wrdreg $0xFFFFFFFF  }
0xad: {  	s28 =	simm.s32 $_size_execute0_lowered;
	s3 =	sadd.s32 s3, s5;
	[dreg:$0x0] =	wrdreg $0x0  }
0xae: {  	s5 =	sshll.u32 s28, $0x1;
	[dreg:$0x2] =	wrdreg s3  }
0xaf: {  	[dreg:$0x3] =	wrdreg s5  }
0xb0: {  	[dreg:$0x4] =	wrdreg $0xC0  }
0xb1: {  	_ =	task [dreg:s7], $0x5FFFF  }
0xb2: {  	[dreg:$0x1] =	wrdreg $0xFFFFFFFF  }
0xb3: {  	[dreg:$0x0] =	wrdreg $0x60  }
0xb4: {  	[dreg:$0x2] =	wrdreg s24  }
0xb5: {  	[dreg:$0x3] =	wrdreg s16  }
0xb6: {  	[dreg:$0x4] =	wrdreg $0x9  }
0xb7: {  	_ =	task.clear_ibuf [dreg:s7], $0x5FFFF;
	_ =	strace $0x90000046  }
0xb8: {  	s29 =	simm.s32 $0x9;
	_ =	strace $0x80000048  }
0xb9: {  	_ =	swait.ge [sflag:s29], $0x1  }
0xba: {  	[sflag:s29] =	ssyncadd.s32 $0xFFFFFFFF  }
0xbb: {  	_ =	strace $0x90000048  }
0xbc: {  	_ =	sfence  }
0xbd: {  	s30 =	sld [smem:$0x0];
	_ =	sdelay $0x2  }
0xbe: {  	s31 =	sshll.u32 s1, $0xD;
	s1 =	sshrl.u32 s1, $0x2  }
0xbf: {  	s3 =	sand.u32 $0x4000, s31;
	s1 =	sadd.s32 s1, s30  }
0xc0: {  	s0 =	sor.u32 s3, s0;
	s1 =	sshll.u32 s1, $0x11  }
0xc1: {  	s0 =	sor.u32 s1, s0  }
0xc2: {  	s0 =	sadd.s32 $0x8F2B, s0  }
0xc3: {  	[sflag:s0] =	ssyncadd.remote.s32 $0x1  }
0xc4: {  	_ =	sfence.sel $0xFFFF  }
0xc5: {  	[dreg:$0x0] =	wrdreg $0xFFFFFFFF;
	(pc) =	sbr.abs _section_cstart, $3  }
0xc6: {  	[dreg:$0x1] =	wrdreg $0xFFFFFFFF  }
0xc7: {  	_ =	task.clear_ibuf [dreg:s7], $0x2FFFF;
	_ =	strace $0x9FFFFFFF  }
0xc8: {  	(tm) =	ssettm $0x7FFFFFFF  }
0xc9: {  	_ =	shalt  }
tec
execute0_lowered:
.L_overlay_start_1:
0x0: {  	(tag) =	ssettag $0x1  }
0x1: {  	s0 =	srdreg.scid  }
0x2: {  	s1 =	sshll.u32 s0, $0x4  }
0x3: {  	s0 =	stileid.u32;
	s1 =	sand.u32 $0x10, s1  }
0x4: {  	s2 =	sor.u32 s0, s1  }
0x5: {  	s1 =	smin.u32 s2, $0x12  }
0x6: {  	s1 =	sadd.s32 s2, s1  }
0x7: {  	p0 =	slt.u32 s2, $0x12;
	s2 =	simm.s32 $0x140;
	s1 =	smul.u32 $0xA0, s1  }
0x8: {  	s2 =	simm.s32 @!p0 $0xA0  }
0x9: {  	s2 =	sadd.s32 s2, s1  }
0xa: {  	s3 =	smin.u32 s2, $0x1F40  }
0xb: {  	s7 =	ssub.s32 s3, s1  }
0xc: {  	p0 =	sgt.s32 s7, $0x0  }
0xd: {  	s7 =	simm.s32 @!p0 $0x0  }
0xe: {  	s4 =	rddreg [dreg:$0x0];
	s31 =	smul.u32 $0xCCCD, s7  }
0xf: {  	s5 =	rddreg [dreg:$0x1]  }
0x10: {  	s6 =	simm.s32 $0x1;
	s10 =	simm.s32 $0x3;
	s8 =	sshrl.u32 s31, $0x17  }
0x11: {  	s13 =	simm.s32 $0x0;
	s12 =	simm.s32 $0x0;
	s9 =	smul.u32 $0xA0, s8  }
.Ltmp0:
0x12: {  	s11 =	smov.u32 s1;
	s2 =	rddreg [dreg:$0x2];
	(pc) =	sbr.rel .LBB2_1-.Ltmp0, $4  }
0x13: {  	_ =	strace $0x80000047;
	p0 =	sne.s32 s7, s9;
	s9 =	simm.s32 $0x1  }
0x14: {  	[sflag:s6] =	ssyncpa.u1 $0x0;
	s7 =	simm.s32 $0x2;
	s9 =	simm.s32 @!p0 $0x0  }
0x15: {  	[sflag:s7] =	ssyncpa.u1 $0x0;
	p0 =	por $0x0, $0x0;
	s8 =	sadd.s32 s8, s9  }
0x16: {  	vm0 =	vmmov $0xff;
	vm1 =	vcmask $0x3F20;
	s9 =	sadd.s32 $0x3F400, s4;
	[sflag:s10] =	ssyncpa.u1 $0x0;
	s10 =	sadd.s32 $0x1, s8  }
.LBB2_6:
0x17: {  	[hbm:s17] =	stream.linear.scatter [tilespmem:s14], [sflag:$0x3], $0x400, $0x38;
	[tilespmem:$0xA140] =	vst v63  }
.LBB2_7:
0x18: {  	s13 =	sadd.s32 $0xA0, s11  }
0x19: {  	s15 =	smov.u32 s1;
	p2 =	slt.s32 s13, s3  }
0x1a: {  	s15 =	smov.u32 @p2 s13;
	p2 =	sne.s32 s12, s10  }
.Ltmp1:
0x1b: {  	p1 =	slt.u32 s12, $0x2;
	(pc) =	sbr.rel @!p2 .LBB2_8-.Ltmp1, $4  }
0x1c: {  	s14 =	simm.s32 @!p1 $0x3  }
0x1d: {  	s16 =	sadd.s32 $0x1, s12;
	_ =	swait.ge @!p1 [sflag:s14], $0x5000  }
0x1e: {  	p0 =	por !p0, !p0;
	s13 =	smov.u32 s11;
	[sflag:s14] =	ssyncset.done @!p1 $0x0  }
0x1f: {  	s12 =	smov.u32 s16;
	s11 =	smov.u32 s15;
	[sflag:s14] =	ssyncadd.s32 @!p1 $0xFFFFB000  }
.LBB2_1:
0x20: {  	p1 =	sge.u32 s12, s8  }
0x21: {  	s14 =	sxor.u32 @!p1 $0xFFFFFFFF, s12  }
0x22: {  	s14 =	sand.u32 @!p1 $0x1, s14  }
0x23: {  	s14 =	smul.u32 @!p1 $0x280, s14  }
0x24: {  	s31 =	sadd.s32 $0xFFFFFFFF, s12;
	s15 =	sshrl.u32 @!p1 s11, $0x3  }
0x25: {  	s16 =	sand.u32 @!p1 $0x7, s11;
	s15 =	sadd.s32 @!p1 s5, s15;
	s14 =	sshrl.u32 @!p1 s14, $0x2  }
0x26: {  	[tilespmem:s14], [sflag:$0x2] =	stream.linear.gather @!p1 [hbm4b:s15+s16], $0xA0, $0x38;
	[tilespmem:$0xA140] =	vst v63  }
0x27: {  	p1 =	sge.u32 s31, s8  }
.Ltmp2:
0x28: {  	_ = 	snop;
	(pc) =	sbr.rel @p1 .LBB2_7-.Ltmp2, $1  }
0x29: {  	_ =	sdelay $0x3  }
0x2a: {  	s14 =	simm.s32 $0x1  }
0x2b: {  	s14 =	simm.s32 @!p0 $0x0  }
0x2c: {  	s15 =	smul.u32 $0x280, s14  }
0x2d: {  	_ =	swait.ge [sflag:s7], $0xA0  }
0x2e: {  	[sflag:s7] =	ssyncset.done $0x0;
	s16 =	sshrl.u32 s15, $0x2  }
0x2f: {  	[sflag:s7] =	ssyncadd.s32 $0xFFFFFF60;
	s15 =	sadd.s32 $0x0, s16  }
0x30: {  	v0 =	vld.msk [tilespmem:s15+$0x0 ss:$0x1], $0xffff;
	_ =	sdelay $0x4  }
0x31: {  	vm2 =	vgt.s32 v0, $0x0  }
0x32: {  	v0 =	vnsel vm2, $0x0, v0  }
0x33: {  	v0 =	vmin.u32 v0, $0x1FFF  }
0x34: {  	v0 =	vshll.u32 v0, $0x4  }
0x35: {  	s14 =	smul.u32 $0x14000, s14;
	_ =	sdelay $0x1  }
0x36: {  	s14 =	sshrl.u32 s14, $0x2  }
0x37: {  	s14 =	sor.u32 $0x140, s14  }
0x38: {  	[tilespmem:s14], [sflag:$0x1] =	stream.indirect_vreg.gather [hbm:s4], $0x80, v0, vm0, $0x38;
	[tilespmem:$0xA140] =	vst v63  }
0x39: {  	s17 =	sadd.s32 $0x10, s16;
	s15 =	sadd.s32 $0x400, s14  }
0x3a: {  	[tilespmem:s15], [sflag:$0x1] =	stream.indirect_vreg.gather [hbm:s4], $0x80, v0, vm1, $0x38;
	[tilespmem:$0xA140] =	vst v63  }
0x3b: {  	s18 =	simm.s32 $0x80;
	v0 =	vld.msk [tilespmem:s17+$0x0 ss:$0x1], $0xffff;
	s17 =	smov.u32 s14  }
.LBB2_3:
0x3c: {  	p1 =	sne.s32 s18, $0x240;
	_ =	sdelay $0x4  }
0x3d: {  	vm2 =	vgt.s32 v0, $0x0  }
0x3e: {  	v0 =	vnsel vm2, $0x0, v0  }
0x3f: {  	v0 =	vmin.u32 v0, $0x1FFF  }
0x40: {  	v0 =	vshll.u32 v0, $0x4;
	_ =	sdelay $0x3  }
.Ltmp3:
0x41: {  	s19 =	sshra.s32 s18, $0x2;
	s17 =	sadd.s32 $0x800, s17;
	(pc) =	sbr.rel @p1 .LBB2_3-.Ltmp3, $4  }
0x42: {  	[tilespmem:s17], [sflag:$0x1] =	stream.indirect_vreg.gather [hbm:s4], $0x80, v0, vm0, $0x38;
	[tilespmem:$0xA140] =	vst v63  }
0x43: {  	s19 =	sadd.s32 s19, s16;
	s20 =	sadd.s32 $0x400, s17  }
0x44: {  	[tilespmem:s20], [sflag:$0x1] =	stream.indirect_vreg.gather [hbm:s4], $0x80, v0, vm1, $0x38;
	[tilespmem:$0xA140] =	vst v63  }
0x45: {  	s18 =	sadd.s32 $0x40, s18;
	v0 =	vld.msk [tilespmem:s19+$0x0 ss:$0x1], $0xffff  }
0x46: {  	_ =	sdelay $0x3  }
0x47: {  	vm2 =	vgt.s32 v0, $0x0  }
0x48: {  	v0 =	vnsel vm2, $0x0, v0  }
0x49: {  	v0 =	vmin.u32 v0, $0x1FFF  }
0x4a: {  	v0 =	vshll.u32 v0, $0x4;
	_ =	sdelay $0x3  }
0x4b: {  	s16 =	sadd.s32 $0x800, s17  }
0x4c: {  	[tilespmem:s16], [sflag:$0x1] =	stream.indirect_vreg.gather [hbm:s4], $0x80, v0, vm0, $0x38;
	[tilespmem:$0xA140] =	vst v63  }
0x4d: {  	s16 =	sadd.s32 $0x400, s16  }
0x4e: {  	[tilespmem:s16], [sflag:$0x1] =	stream.indirect_vreg.gather [hbm:s4], $0x80, v0, vm1, $0x38;
	[tilespmem:$0xA140] =	vst v63  }
0x4f: {  	s13 =	sshll.u32 s13, $0x4;
	_ =	swait.ge [sflag:s6], $0x5000  }
0x50: {  	s13 =	sadd.s32 s13, s9;
	[sflag:s6] =	ssyncset.done $0x0  }
0x51: {  	s17 =	sadd.s32 $0x0, s13;
	s16 =	simm.s32 $0x80;
	[sflag:s6] =	ssyncadd.s32 $0xFFFFB000  }
.LBB2_5:
0x52: {  	[hbm:s17] =	stream.linear.scatter [tilespmem:s14], [sflag:$0x3], $0x400, $0x38;
	[tilespmem:$0xA140] =	vst v63  }
0x53: {  	s17 =	smov.u32 s16;
	s14 =	smov.u32 s15;
	p1 =	sne.s32 s16, $0x980  }
.Ltmp4:
0x54: {  	s16 =	sadd.s32 $0x80, s16;
	(pc) =	sbr.rel @p1 .LBB2_5-.Ltmp4, $2  }
0x55: {  	_ =	sdelay $0x2  }
0x56: {  	s15 =	sadd.s32 $0x400, s15;
	s17 =	sadd.s32 s17, s13  }
.Ltmp5:
0x57: {  	_ = 	snop;
	(pc) =	sbr.rel .LBB2_6-.Ltmp5, $1  }
0x58: {  	_ =	sdelay $0x3  }
.LBB2_8:
0x59: {  	_ =	sfence.sel $0x180000  }
0x5a: {  	s1 =	simm.s32 $0x2;
	[bflag:$0x0] =	sbarrier.arrive $0xFFFF  }
0x5b: {  	s30 =	simm.s32 $0x3;
	[sflag:s1] =	ssyncpa.u1 $0x1  }
0x5c: {  	s31 =	simm.s32 $0x1;
	[sflag:s30] =	ssyncpa.u1 $0x1  }
0x5d: {  	[sflag:s31] =	ssyncpa.u1 $0x1  }
0x5e: {  	p0 =	sne.s32 s0, $0x0;
	_ =	strace $0x90000047  }
0x5f: {  	s0 =	sadd.s32 @!p0 $0x100000, s2;
	[bflag:$0x2] =	sbarrier.arrive $0xFFFF  }
0x60: {  	[sflag:s0] =	ssyncadd.tile.s32 @!p0 $0x1;
	_ =	shalt  }
.Lfunc_end2:
_tile_overlayer_lowered:
.L_overlay_start_2:
0x61: {  	(tag) =	ssettag $0x2  }
0x62: {  	s0 =	rddreg [dreg:$0x0];
	s2 =	stileid.u32  }
0x63: {  	s1 =	rddreg [dreg:$0x1];
	p0 =	sne.s32 s2, $0x0  }
0x64: {  	s3 =	rddreg [dreg:$0x2];
	[bflag:$0x3] =	sbarrier.arrive $0xFFFF;
	s2 =	simm.s32 @!p0 $0x1C01  }
0x65: {  	[timem:s3], [sflag:s2] =	dma.local @!p0 [hbm:s0], s1  }
0x66: {  	s0 =	simm.s32 @!p0 $0x1  }
0x67: {  	_ =	swait.ge @!p0 [sflag:s0], s1  }
0x68: {  	s1 =	ssub.s32 @!p0 $0x0, s1;
	[sflag:s0] =	ssyncset.done @!p0 $0x0  }
0x69: {  	[sflag:s0] =	ssyncadd.s32 @!p0 s1  }
0x6a: {  	[bflag:$0x3] =	sbarrier.arrive $0xFFFF  }
0x6b: {  	_ =	shalt  }

// kernel: scatter_offload_async_start
scs
__scs_entry_jumppad:
0x0: {  	(pc) =	sbr.rel $0x88, $3  }
0x1: {  	(tag) =	ssettag $0x0;
	lr =	simm.s32 $0x1  }
0x2: {  	[smem:$0x3F8A] =	sst lr;
	_ =	strace $0xD0000000  }
0x3: {  	_ = 	snop  }
0x4: {  	_ = 	snop  }
0x5: {  	_ = 	snop  }
0x6: {  	_ = 	snop  }
0x7: {  	_ = 	snop  }
__scs_overlays_trampoline_lowered:
0x8: {  	[smem:$0x3F99] =	sst s0  }
0x9: {  	[smem:$0x3F9A] =	sst s1  }
0xa: {  	[smem:$0x3F9B] =	sst s2  }
0xb: {  	[smem:$0x3F9C] =	sst s3  }
0xc: {  	[smem:$0x3F9D] =	sst s4  }
0xd: {  	[smem:$0x3F9E] =	sst s5  }
0xe: {  	[smem:$0x3F9F] =	sst s6  }
0xf: {  	[smem:$0x3FA0] =	sst s7  }
0x10: {  	[smem:$0x3FA1] =	sst s8  }
0x11: {  	[smem:$0x3FA2] =	sst s9;
	s0 =	simm.s32 @!p0 $0x0  }
0x12: {  	s1 =	sld [smem:$0x3F88];
	s0 =	simm.s32 @p0 $0x1  }
0x13: {  	[smem:$0x3FA3] =	sst s0;
	s0 =	simm.s32 @!p1 $0x0  }
0x14: {  	s2 =	sld [smem:$0x3F87];
	s0 =	simm.s32 @p1 $0x1  }
0x15: {  	[smem:$0x3FA4] =	sst s0;
	s0 =	simm.s32 @!p2 $0x0  }
0x16: {  	s3 =	sld [smem:$0x3FDB];
	s0 =	simm.s32 @p2 $0x1  }
0x17: {  	s4 =	simm.s32 $0x1BF5;
	[smem:$0x3FA6] =	sst s0  }
0x18: {  	s0 =	sld [smem:$0x3F89];
	_ =	swait.ge [sflag:s4], $0x0  }
0x19: {  	s7 =	sld [smem:$0x3F8A]  }
0x1a: {  	s8 =	sadd.s32 $0xFFFFE003, lr  }
0x1b: {  	s9 =	sadd.s32 $0xFFFFFEF7, lr;
	s5 =	simm.s32 $0xFFFFFFFF;
	p2 =	slt.u32 s8, $0xFFFFF086  }
0x1c: {  	p1 =	slt.u32 s9, $0xF7A;
	s5 =	simm.s32 @!p2 $0x0  }
0x1d: {  	s5 =	simm.s32 @p1 $0x1;
	p0 =	seq.s32 s7, s2  }
0x1e: {  	s7 =	smul.u32 @!p0 $0xF7A, s2;
	p2 =	seq.s32 @!p0 s5, $0x0  }
0x1f: {  	s9 =	smul.u32 $0xF7A, s1;
	s8 =	simm.s32 @!p0 $0x1BF5;
	p2 =	por !p2, p0  }
0x20: {  	[sflag:s8] =	ssyncset.s32 @!p0 $0xFFFFF086;
	s6 =	sadd.s32 @!p0 s3, s7;
	s7 =	simm.s32 @!p0 $0x108  }
0x21: {  	s3 =	sadd.s32 s3, s9;
	s6 =	sadd.s32 @!p0 $0x88, s6;
	s7 =	simm.s32 @p2 $0x1082  }
0x22: {  	[simem:s7], [sflag:s8] =	dma.local @!p0 [hbm:s6], $0xF7A  }
0x23: {  	s9 =	sor.u32 $0xD0000000, s2;
	s6 =	simm.s32 $0x108;
	_ =	swait.ge @!p0 [sflag:s8], $0x0  }
0x24: {  	s3 =	sadd.s32 $0x88, s3;
	s6 =	simm.s32 @!p1 $0x1082;
	[sflag:s4] =	ssyncset.s32 $0xFFFFF086  }
0x25: {  	[simem:s6], [sflag:s4] =	dma.local [hbm:s3], $0xF7A  }
0x26: {  	[smem:$0x3F8A] =	sst s1;
	(tag) =	ssettag s2;
	_ =	strace s9  }
0x27: {  	s1 =	sld [smem:$0x3F9A]  }
0x28: {  	s2 =	sld [smem:$0x3F9B]  }
0x29: {  	s4 =	sld [smem:$0x3F9D]  }
0x2a: {  	p0 =	seq.s32 s5, $0x0;
	s5 =	sld [smem:$0x3F9E]  }
0x2b: {  	s6 =	sld [smem:$0x3F9F]  }
0x2c: {  	s7 =	sld [smem:$0x3FA0]  }
0x2d: {  	s3 =	simm.s32 $0x108;
	s8 =	sld [smem:$0x3FA1]  }
0x2e: {  	s3 =	simm.s32 @!p0 $0x1082;
	s9 =	sld [smem:$0x3FA2]  }
0x2f: {  	lr =	sadd.s32 s0, s3;
	s0 =	sld [smem:$0x3F99]  }
0x30: {  	s3 =	sld [smem:$0x3F9C]  }
0x31: {  	[smem:$0x3FA5] =	sst s10  }
0x32: {  	s10 =	sld [smem:$0x3FA3];
	_ =	sdelay $0x3  }
0x33: {  	p0 =	seq.s32 s10, $0x1;
	s10 =	sld [smem:$0x3FA5];
	_ =	sdelay $0x3  }
0x34: {  	[smem:$0x3FA5] =	sst s10  }
0x35: {  	s10 =	sld [smem:$0x3FA4];
	_ =	sdelay $0x3  }
0x36: {  	p1 =	seq.s32 s10, $0x1;
	s10 =	sld [smem:$0x3FA5];
	_ =	sdelay $0x3  }
0x37: {  	[smem:$0x3FA5] =	sst s10  }
0x38: {  	s10 =	sld [smem:$0x3FA6]  }
0x39: {  	_ = 	snop;
	(pc) =	sbr.ind lr, $3  }
0x3a: {  	_ = 	snop  }
0x3b: {  	_ = 	snop  }
0x3c: {  	p2 =	seq.s32 s10, $0x1;
	s10 =	sld [smem:$0x3FA5]  }
0x3d: {  	_ =	shalt  }
0x3e: {  	_ =	shalt  }
0x3f: {  	_ =	shalt  }
0x40: {  	_ =	shalt  }
0x41: {  	_ =	shalt  }
0x42: {  	_ =	shalt  }
0x43: {  	_ =	shalt  }
0x44: {  	_ =	shalt  }
0x45: {  	_ =	shalt  }
0x46: {  	_ =	shalt  }
0x47: {  	_ =	shalt  }
0x48: {  	_ =	shalt  }
0x49: {  	_ =	shalt  }
0x4a: {  	_ =	shalt  }
0x4b: {  	_ =	shalt  }
0x4c: {  	_ =	shalt  }
0x4d: {  	_ =	shalt  }
0x4e: {  	_ =	shalt  }
0x4f: {  	_ =	shalt  }
0x50: {  	_ =	shalt  }
0x51: {  	_ =	shalt  }
0x52: {  	_ =	shalt  }
0x53: {  	_ =	shalt  }
0x54: {  	_ =	shalt  }
0x55: {  	_ =	shalt  }
0x56: {  	_ =	shalt  }
0x57: {  	_ =	shalt  }
0x58: {  	_ =	shalt  }
0x59: {  	_ =	shalt  }
0x5a: {  	_ =	shalt  }
0x5b: {  	_ =	shalt  }
0x5c: {  	_ =	shalt  }
0x5d: {  	_ =	shalt  }
0x5e: {  	_ =	shalt  }
0x5f: {  	_ =	shalt  }
0x60: {  	_ =	shalt  }
0x61: {  	_ =	shalt  }
0x62: {  	_ =	shalt  }
0x63: {  	_ =	shalt  }
0x64: {  	_ =	shalt  }
0x65: {  	_ =	shalt  }
0x66: {  	_ =	shalt  }
0x67: {  	_ =	shalt  }
0x68: {  	_ =	shalt  }
0x69: {  	_ =	shalt  }
0x6a: {  	_ =	shalt  }
0x6b: {  	_ =	shalt  }
0x6c: {  	_ =	shalt  }
0x6d: {  	_ =	shalt  }
0x6e: {  	_ =	shalt  }
0x6f: {  	_ =	shalt  }
0x70: {  	_ =	shalt  }
0x71: {  	_ =	shalt  }
0x72: {  	_ =	shalt  }
0x73: {  	_ =	shalt  }
0x74: {  	_ =	shalt  }
0x75: {  	_ =	shalt  }
0x76: {  	_ =	shalt  }
0x77: {  	_ =	shalt  }
0x78: {  	_ =	shalt  }
0x79: {  	_ =	shalt  }
0x7a: {  	_ =	shalt  }
0x7b: {  	_ =	shalt  }
0x7c: {  	_ =	shalt  }
0x7d: {  	_ =	shalt  }
0x7e: {  	_ =	shalt  }
0x7f: {  	_ =	shalt  }
0x80: {  	_ =	shalt  }
0x81: {  	_ =	shalt  }
0x82: {  	_ =	shalt  }
0x83: {  	_ =	shalt  }
0x84: {  	_ =	shalt  }
0x85: {  	_ =	shalt  }
0x86: {  	_ =	shalt  }
0x87: {  	_ =	shalt  }
.Lfunc_end0:
.L_simem_size_0:
called_computation_lowered:
.L_overlay_start_0:
0x88: {  	s0 =	sld [smem:$0x3FD9]  }
0x89: {  	s1 =	sld [smem:$0x3FFE];
	_ =	sdelay $0x3  }
0x8a: {  	s0 =	sadd.s32 s1, s0  }
0x8b: {  	[smem:$0x3FB1] =	sst s0  }
0x8c: {  	_ = 	snop  }
0x8d: {  	(tm) =	ssettm $0x1  }
0x8e: {  	s15 =	sld [smem:$0x3FFB];
	_ =	sdelay $0x3  }
0x8f: {  	_ =	strace s15  }
0x90: {  	s0 =	sld [smem:$0x3FFC];
	_ =	sdelay $0x3  }
0x91: {  	_ =	strace s0  }
0x92: {  	s0 =	sld [smem:$0x3FFD];
	_ =	sdelay $0x3  }
0x93: {  	_ =	strace s0  }
0x94: {  	_ =	strace $0x8FFFFFFF  }
0x95: {  	s16 =	sld [smem:$0x3FDB];
	_ =	sdelay $0x1  }
0x96: {  	s17 =	simm.s32 $_scs_section_size  }
0x97: {  	s2 =	simm.s32 $_size__tile_overlayer_lowered;
	s3 =	simm.s32 $_tile_overlayer_lowered  }
0x98: {  	s20 =	simm.s32 $0x1BFF;
	s19 =	sshll.u32 s3, $0x1;
	s0 =	sadd.s32 s17, s16  }
0x99: {  	s4 =	simm.s32 $0x0;
	s18 =	sshll.u32 s2, $0x1;
	s2 =	sadd.s32 s19, s0  }
0x9a: {  	[timem:s4], [sflag:s20] =	dma.local [hbm:s2], s18  }
0x9b: {  	_ =	swait.ge [sflag:s20], s18  }
0x9c: {  	s1 =	ssub.s32 $0x0, s18;
	[sflag:s20] =	ssyncset.done $0x0  }
0x9d: {  	[sflag:s20] =	ssyncadd.s32 s1;
	_ =	sdelay $0x1  }
0x9e: {  	s21 =	simm.s32 $0x1B8B  }
0x9f: {  	_ =	swait.ge [sflag:s21], $0x1  }
0xa0: {  	[sflag:s21] =	ssyncset.done $0x0  }
0xa1: {  	s23 =	simm.s32 $0x1B8E;
	s22 =	sld [smem:$0x3FFE];
	[sflag:s21] =	ssyncadd.s32 $0xFFFFFFFF  }
0xa2: {  	s24 =	simm.s32 $execute0_lowered;
	[smem:$0x3FD2] =	sst s23  }
0xa3: {  	s2 =	sshll.u32 s24, $0x1;
	_ =	strace $0x80000049;
	[dreg:$0x1] =	wrdreg $0xFFFFFFFF  }
0xa4: {  	s25 =	simm.s32 $_size_execute0_lowered;
	s0 =	sadd.s32 s0, s2;
	[dreg:$0x0] =	wrdreg $0x0  }
0xa5: {  	s2 =	sshll.u32 s25, $0x1;
	[dreg:$0x2] =	wrdreg s0  }
0xa6: {  	[dreg:$0x3] =	wrdreg s2  }
0xa7: {  	[dreg:$0x4] =	wrdreg $0xC0  }
0xa8: {  	_ =	task [dreg:s4], $0x5FFFF  }
0xa9: {  	[dreg:$0x1] =	wrdreg $0xFFFFFFFF  }
0xaa: {  	[dreg:$0x0] =	wrdreg $0x60  }
0xab: {  	[dreg:$0x2] =	wrdreg s22  }
0xac: {  	[dreg:$0x3] =	wrdreg $0x9  }
0xad: {  	_ =	task.clear_ibuf [dreg:s4], $0x4FFFF;
	_ =	strace $0x90000049  }
0xae: {  	s26 =	simm.s32 $0x9;
	_ =	strace $0x8000004B  }
0xaf: {  	_ =	swait.ge [sflag:s26], $0x1  }
0xb0: {  	[sflag:s26] =	ssyncadd.s32 $0xFFFFFFFF  }
0xb1: {  	_ =	strace $0x9000004B  }
0xb2: {  	_ =	sfence  }
0xb3: {  	s28 =	sld [smem:$0x0];
	_ =	sdelay $0x1  }
0xb4: {  	s29 =	srdreg.scid  }
0xb5: {  	s30 =	sshll.u32 s29, $0xD;
	s31 =	sshrl.u32 s29, $0x2  }
0xb6: {  	s1 =	sand.u32 $0x1, s29;
	s2 =	sand.u32 $0x4000, s30;
	s0 =	sadd.s32 s31, s28  }
0xb7: {  	s1 =	sor.u32 s2, s1;
	s0 =	sshll.u32 s0, $0x11  }
0xb8: {  	s0 =	sor.u32 s0, s1  }
0xb9: {  	s0 =	sadd.s32 $0x8F2B, s0  }
0xba: {  	[sflag:s0] =	ssyncadd.remote.s32 $0x1  }
0xbb: {  	_ =	sfence.sel $0xFFFF  }
0xbc: {  	[dreg:$0x0] =	wrdreg $0xFFFFFFFF;
	(pc) =	sbr.abs _section_cstart, $3  }
0xbd: {  	[dreg:$0x1] =	wrdreg $0xFFFFFFFF  }
0xbe: {  	_ =	task.clear_ibuf [dreg:s4], $0x2FFFF;
	_ =	strace $0x9FFFFFFF  }
0xbf: {  	(tm) =	ssettm $0x7FFFFFFF  }
tec
execute0_lowered:
.L_overlay_start_1:
0x0: {  	(tag) =	ssettag $0x1  }
0x1: {  	s2 =	rddreg [dreg:$0x0]  }
0x2: {  	s0 =	rddreg [dreg:$0x1];
	_ =	strace $0x8000004A;
	s3 =	stileid.u32  }
0x3: {  	s4 =	simm.s32 $0x3E;
	s1 =	sadd.s32 $0x20400, s2;
	p0 =	sne.s32 s3, $0x0  }
0x4: {  	[sflag:s4] =	ssyncpa.u1 $0x0;
	s5 =	simm.s32 @!p0 $0x1C3E;
	s6 =	simm.s32 @!p0 $0x0  }
0x5: {  	[spmem:s6], [sflag:s5] =	dma.local @!p0 [hbm:s1], $0x20  }
0x6: {  	s5 =	simm.s32 @!p0 $0x3E  }
0x7: {  	_ =	swait.ge @!p0 [sflag:s5], $0x20  }
0x8: {  	[sflag:s5] =	ssyncset.done @!p0 $0x0  }
0x9: {  	s26 =	simm.s32 $0x1;
	[sflag:s5] =	ssyncadd.s32 @!p0 $0xFFFFFFE0  }
0xa: {  	s29 =	simm.s32 $0x2;
	s7 =	simm.s32 $0x210;
	[bflag:$0x0] =	sbarrier.arrive $0xFFFF  }
0xb: {  	s28 =	sadd.s32 $0x3FA00, s2;
	s30 =	sadd.s32 $0x20000, s2;
	[sflag:s4] =	ssyncpa.u1 $0x1  }
0xc: {  	s3 =	sshll.u32 s3, $0x6;
	s2 =	simm.s32 $0x0;
	[sflag:s26] =	ssyncpa.u1 $0x0  }
0xd: {  	s4 =	sadd.s32 s28, s3;
	(ifvalue) =	ssetifvalue $0x100;
	[sflag:s29] =	ssyncpa.u1 $0x0  }
0xe: {  	[tilespmem:s7], [sflag:$0x2] =	stream.linear.gather [hbm4b:s4+s2], $0x200, $0x38;
	[tilespmem:$0x810] =	vst v63  }
0xf: {  	s31 =	sadd.s32 s30, s3;
	s3 =	simm.s32 $0x610  }
0x10: {  	[tilespmem:s3], [sflag:$0x2] =	stream.linear.gather [hbm4b:s31+s2], $0x200, $0x38;
	[tilespmem:$0x810] =	vst v63  }
0x11: {  	_ =	swait.ge [sflag:s29], $0x400  }
0x12: {  	[sflag:s29] =	ssyncset.done $0x0  }
0x13: {  	[sflag:s29] =	ssyncadd.s32 $0xFFFFFC00  }
0x14: {  	v0 =	vld.msk [tilespmem:s7+$0x0 ss:$0x1], $0xffff;
	_ =	sdelay $0x4  }
0x15: {  	v0 =	vmin.u32 v0, $0x100;
	_ =	sdelay $0x3  }
0x16: {  	vm0 =	vmmov $0xffff;
	s5 =	simm.s32 $0x220;
	s4 =	simm.s32 $0x0  }
0x17: {  	[spmem:s2] =	stream.indirect_vreg.scatter.add.s32 [tilespmem:s3], [sflag:$0x1], $0x1, v0, vm0, $0x4038;
	[tilespmem:$0x810] =	vst v63  }
.LBB2_1:
0x18: {  	v0 =	vld.msk [tilespmem:s5+$0x0 ss:$0x1], $0xffff;
	s4 =	sadd.s32 $0x10, s4  }
0x19: {  	p1 =	slt.u32 s4, $0x1F0;
	_ =	sdelay $0x4  }
0x1a: {  	v0 =	vmin.u32 v0, $0x100  }
.Ltmp0:
0x1b: {  	(pc) =	sbr.rel @p1 .LBB2_1-.Ltmp0, $3  }
0x1c: {  	_ =	sdelay $0x1  }
0x1d: {  	s5 =	sadd.s32 $0x10, s5;
	s3 =	sadd.s32 $0x10, s3  }
0x1e: {  	[spmem:s2] =	stream.indirect_vreg.scatter.add.s32 [tilespmem:s3], [sflag:$0x1], $0x1, v0, vm0, $0x4038;
	[tilespmem:$0x810] =	vst v63  }
0x1f: {  	s2 =	simm.s32 $0x1  }
0x20: {  	_ =	swait.ge [sflag:s2], $0x200  }
0x21: {  	[sflag:s2] =	ssyncset.done $0x0  }
0x22: {  	[sflag:s2] =	ssyncadd.s32 $0xFFFFFE00  }
0x23: {  	_ =	sfence.sel $0x180000  }
0x24: {  	s3 =	simm.s32 $0x2;
	[bflag:$0x0] =	sbarrier.arrive $0xFFFF  }
0x25: {  	[sflag:s3] =	ssyncpa.u1 $0x1  }
0x26: {  	[sflag:s2] =	ssyncpa.u1 $0x1  }
0x27: {  	_ =	sfence.stream.spmem  }
0x28: {  	s31 =	simm.s32 $0x3D;
	[bflag:$0x0] =	sbarrier.arrive $0xFFFF  }
0x29: {  	s2 =	simm.s32 @p0 $0x3D;
	[sflag:s31] =	ssyncpa.u1 $0x0  }
0x2a: {  	[sflag:s2] =	ssyncpa.u1 @p0 $0x1  }
0x2b: {  	[bflag:$0x0] =	sbarrier.arrive @p0 $0xFFFF  }
0x2c: {  	_ =	strace @p0 $0x9000004A  }
0x2d: {  	s3 =	simm.s32 @!p0 $0x1C3D;
	s2 =	simm.s32 @!p0 $0x0;
	[bflag:$0x2] =	sbarrier.arrive @p0 $0xFFFF  }
0x2e: {  	[hbm:s1], [sflag:s3] =	dma.local @!p0 [spmem:s2], $0x20  }
0x2f: {  	s1 =	simm.s32 @!p0 $0x3D  }
0x30: {  	_ =	swait.ge @!p0 [sflag:s1], $0x20  }
0x31: {  	[sflag:s1] =	ssyncset.done @!p0 $0x0  }
0x32: {  	[sflag:s1] =	ssyncadd.s32 @!p0 $0xFFFFFFE0  }
0x33: {  	[sflag:s1] =	ssyncpa.u1 @!p0 $0x1  }
0x34: {  	[bflag:$0x0] =	sbarrier.arrive @!p0 $0xFFFF  }
0x35: {  	_ =	strace @!p0 $0x9000004A  }
0x36: {  	s0 =	sadd.s32 @!p0 $0x100000, s0;
	[bflag:$0x2] =	sbarrier.arrive @!p0 $0xFFFF  }
0x37: {  	[sflag:s0] =	ssyncadd.tile.s32 @!p0 $0x1;
	_ =	shalt  }
.Lfunc_end2:
_tile_overlayer_lowered:
.L_overlay_start_2:
0x38: {  	(tag) =	ssettag $0x2  }
0x39: {  	s0 =	rddreg [dreg:$0x0];
	s2 =	stileid.u32  }
0x3a: {  	s1 =	rddreg [dreg:$0x1];
	p0 =	sne.s32 s2, $0x0  }
0x3b: {  	s3 =	rddreg [dreg:$0x2];
	[bflag:$0x3] =	sbarrier.arrive $0xFFFF;
	s2 =	simm.s32 @!p0 $0x1C01  }
0x3c: {  	[timem:s3], [sflag:s2] =	dma.local @!p0 [hbm:s0], s1  }
0x3d: {  	s0 =	simm.s32 @!p0 $0x1  }
0x3e: {  	_ =	swait.ge @!p0 [sflag:s0], s1  }
0x3f: {  	s1 =	ssub.s32 @!p0 $0x0, s1;
	[sflag:s0] =	ssyncset.done @!p0 $0x0  }
0x40: {  	[sflag:s0] =	ssyncadd.s32 @!p0 s1  }
0x41: {  	[bflag:$0x3] =	sbarrier.arrive $0xFFFF  }
0x42: {  	_ =	shalt  }

</sc_bundles>
